<compile_context>
chip_gen: v7x
topology: tpu7x:2x2x1
jax: 0.10.2.dev20260603
libtpu: 0.0.44.dev20260713+nightly
codegen_flags: <defaults>
</compile_context>

<pallas_src>
import functools

import jax
import jax.numpy as jnp
import numpy as np
from jax import lax
from jax.experimental import pallas as pl
from jax.experimental.pallas import tpu as pltpu
from jax.experimental.pallas import tpu_sc as plsc

_B, _T, _V = 16, 128, 8000
_T_ENC, _S = 256, 128
_BLANK = 0
_PAD = 0
_SMOOTH = 0.1
_CONF = 1.0 - _SMOOTH
_NEG = -1e30
_FILL = _SMOOTH / (_V - 2)
_C1 = float(_SMOOTH * np.log(_FILL) + _CONF * np.log(_CONF))

_LE = 2 * _S
_E0W = 16


_NC, _NS = 2, 16
_NW = _NC * _NS
_TPW = _T_ENC // _NW
_CHUNK = _TPW * _B * _S
_BCHUNK = _TPW * _B


@functools.lru_cache(maxsize=None)
def _make_sc_gather():
    @functools.partial(
        pl.kernel,
        out_type=(
            jax.ShapeDtypeStruct((_T_ENC * _B * _S,), jnp.float32),
            jax.ShapeDtypeStruct((_T_ENC * _B,), jnp.float32),
        ),
        mesh=plsc.VectorSubcoreMesh(core_axis_name="c", subcore_axis_name="s",
                                    num_cores=_NC, num_subcores=_NS),
        scratch_types=[
            pltpu.VMEM((_CHUNK,), jnp.int32),
            pltpu.VMEM((_CHUNK,), jnp.float32),
            pltpu.VMEM((_BCHUNK,), jnp.int32),
            pltpu.VMEM((_BCHUNK,), jnp.float32),
            pltpu.SemaphoreType.DMA,
        ],
    )
    def _sc_gather(lp_flat, idx_hbm, idx0_hbm, emit_out, e0_out,
                   idx_v, rows_v, idx0_v, e0_v, sem):
        wid = lax.axis_index("s") * _NC + lax.axis_index("c")
        base = wid * _CHUNK
        base0 = wid * _BCHUNK
        pltpu.sync_copy(idx_hbm.at[pl.ds(base, _CHUNK)], idx_v)
        pltpu.sync_copy(idx0_hbm.at[pl.ds(base0, _BCHUNK)], idx0_v)
        cp_t = pltpu.async_copy(lp_flat.at[idx_v], rows_v, sem)
        cp_b = pltpu.async_copy(lp_flat.at[idx0_v], e0_v, sem)
        cp_t.wait()
        cp_b.wait()
        pltpu.sync_copy(rows_v, emit_out.at[pl.ds(base, _CHUNK)])
        pltpu.sync_copy(e0_v, e0_out.at[pl.ds(base0, _BCHUNK)])

    return _sc_gather




def _att_body(scores_ref, g_ref, out_ref):
    i = pl.program_id(0)
    s = scores_ref[0]
    g = g_ref[0]
    col = lax.broadcasted_iota(jnp.int32, s.shape, 1)
    row_sum = jnp.sum(s, axis=1, keepdims=True)
    s0 = s[:, 0:1]
    sg = jnp.sum(jnp.where(col == g, s, 0.0), axis=1, keepdims=True)
    contrib = jnp.where(
        g != _PAD,
        _C1 - _FILL * row_sum + _FILL * s0 + (_FILL - _CONF) * sg,
        0.0,
    )

    @pl.when(i == 0)
    def _():
        out_ref[...] = jnp.zeros((1, 1), jnp.float32)

    out_ref[...] += jnp.sum(contrib).reshape(1, 1)


def _att_total(inputs, labels3):
    return pl.pallas_call(
        _att_body,
        grid=(_B,),
        in_specs=[
            pl.BlockSpec((1, _T, _V), lambda i: (i, 0, 0)),
            pl.BlockSpec((1, _T, 1), lambda i: (i, 0, 0)),
        ],
        out_specs=pl.BlockSpec((1, 1), lambda i: (0, 0)),
        out_shape=jax.ShapeDtypeStruct((1, 1), jnp.float32),
    )(inputs, labels3)




def _lae(a, b):
    m = jnp.maximum(a, b)
    return m + jnp.log1p(jnp.exp(-jnp.abs(a - b)))


def _ctc_body(et_ref, e0_ref, skip_ref, tl_ref, att_ref, w_ref, out_ref):
    skip = skip_ref[...] != 0
    tl = tl_ref[...]
    neg = jnp.float32(_NEG)
    lane_e = lax.broadcasted_iota(jnp.int32, (_B, _LE), 1)
    lane_o = lax.broadcasted_iota(jnp.int32, (_B, _S), 1)
    neg_col = jnp.full((_B, 1), _NEG, jnp.float32)
    neg_tail = jnp.full((_B, _LE - _S - 1), _NEG, jnp.float32)

    def e0_col(t):
        return e0_ref[t]

    E0 = jnp.where(lane_e == 0, e0_col(0), neg)
    O0 = jnp.where(lane_o == 0, et_ref[0][:, 0:1], neg)

    def step(t, carry):
        E, O = carry
        et = et_ref[t]
        e0 = e0_col(t)
        o_shift = jnp.concatenate([neg_col, O[:, :-1]], axis=1)
        s3 = jnp.where(skip, o_shift, neg)
        es = E[:, :_S]
        m = jnp.maximum(jnp.maximum(O, es), s3)
        new_o = m + jnp.log(
            jnp.exp(O - m) + jnp.exp(es - m) + jnp.exp(s3 - m)) + et
        o_to_e = jnp.concatenate([neg_col, O, neg_tail], axis=1)
        new_e = _lae(E, o_to_e) + e0
        return new_e, new_o

    E, O = lax.fori_loop(1, _T_ENC, step, (E0, O0), unroll=2)

    l1 = jnp.sum(jnp.where(lane_e == tl, E, 0.0), axis=1, keepdims=True)
    l2 = jnp.sum(jnp.where(lane_o == tl - 1, O, 0.0), axis=1, keepdims=True)
    ctc_total = jnp.sum(-_lae(l1, l2)).reshape(1, 1)
    w = w_ref[...]
    out_ref[...] = w * att_ref[...] + (1.0 - w) * ctc_total


def _ctc_combine(emit, e0, skip, tl, att, w):
    return pl.pallas_call(
        _ctc_body,
        out_shape=jax.ShapeDtypeStruct((1, 1), jnp.float32),
    )(emit, e0, skip, tl, att, w)




def kernel(inputs, labels, encoder_output, ctc_targets, input_lengths,
           target_lengths, weight):
    tgt = ctc_targets.astype(jnp.int32)
    idx = (
        jnp.arange(_T_ENC, dtype=jnp.int32)[:, None, None] * (_B * _V)
        + jnp.arange(_B, dtype=jnp.int32)[None, :, None] * _V
        + tgt[None, :, :]
    )
    idx0 = (
        jnp.arange(_T_ENC, dtype=jnp.int32)[:, None] * (_B * _V)
        + jnp.arange(_B, dtype=jnp.int32)[None, :] * _V
    )
    emit_flat, e0_flat = _make_sc_gather()(
        encoder_output.reshape(-1), idx.reshape(-1), idx0.reshape(-1))
    emit = emit_flat.reshape(_T_ENC, _B, _S)
    e0 = e0_flat.reshape(_T_ENC, _B, 1)

    att = _att_total(inputs, labels.reshape(_B, _T, 1).astype(jnp.int32))

    prev = jnp.concatenate([jnp.full((_B, 1), -1, tgt.dtype), tgt[:, :-1]],
                           axis=1)
    skip = ((tgt != prev)
            & (jnp.arange(_S, dtype=jnp.int32)[None, :] >= 1)).astype(jnp.int32)
    out = _ctc_combine(
        emit, e0, skip,
        target_lengths.astype(jnp.int32).reshape(_B, 1),
        att, weight.astype(jnp.float32).reshape(1, 1),
    )
    return out[0, 0]

# --- scband reference (transcript-rebuilt; emitter-appended) ---
"""Pipeline reference for scband-joint-ctc-dekay-attention-841813590102 (READ-ONLY COPY).

The authoritative reference and input builder live on the scoring server;
editing this copy changes nothing except your own understanding.
"""

import jax, jax.numpy as jnp
import numpy as np

B, T, V = 16, 128, 8000
T_ENC, S = 256, 128
BLANK = 0
PAD = 0
SMOOTH = 0.1
CONF = 1.0 - SMOOTH
NEG = -1e30


def setup_inputs(seed: int = 0) -> dict:
    key = jax.random.key(seed)
    k1, k2, k3, k4, k5 = jax.random.split(key, 5)
    inputs = jax.nn.log_softmax(jax.random.normal(k1, (B, T, V), dtype=jnp.float32), axis=-1)
    labels = jax.random.randint(k2, (B, T), 0, V)
    encoder_output = jax.nn.log_softmax(jax.random.normal(k3, (T_ENC, B, V), dtype=jnp.float32), axis=-1)
    ctc_targets = jax.random.randint(k4, (B, S), 1, V)
    input_lengths = jnp.full((B,), T_ENC, dtype=jnp.int32)
    target_lengths = jax.random.randint(k5, (B,), 32, 100)
    weight = jnp.array([0.7], dtype=jnp.float32)
    return dict(inputs=inputs, labels=labels, encoder_output=encoder_output,
                ctc_targets=ctc_targets, input_lengths=input_lengths,
                target_lengths=target_lengths, weight=weight)


def _ctc_loss(log_probs, targets, input_lengths, target_lengths):
    Tt, Bb, Vv = log_probs.shape
    Ss = targets.shape[1]
    L = 2 * Ss + 1
    ext = jnp.full((Bb, L), BLANK, dtype=targets.dtype)
    ext = ext.at[:, 1::2].set(targets)
    prev2 = jnp.concatenate([jnp.full((Bb, 2), -1, dtype=ext.dtype), ext[:, :-2]], axis=1)
    skip_ok = (ext != BLANK) & (ext != prev2)
    lp0 = log_probs[0]
    alpha0 = jnp.full((Bb, L), NEG, dtype=jnp.float32)
    alpha0 = alpha0.at[:, 0].set(lp0[:, BLANK])
    first_lbl = jnp.take_along_axis(lp0, ext[:, 1:2], axis=1)[:, 0]
    alpha0 = alpha0.at[:, 1].set(jnp.where(target_lengths > 0, first_lbl, NEG))

    def step(alpha, xt):
        lp, t = xt
        a1 = jnp.concatenate([jnp.full((Bb, 1), NEG, dtype=alpha.dtype), alpha[:, :-1]], axis=1)
        a2 = jnp.concatenate([jnp.full((Bb, 2), NEG, dtype=alpha.dtype), alpha[:, :-2]], axis=1)
        a2 = jnp.where(skip_ok, a2, NEG)
        new = jnp.logaddexp(jnp.logaddexp(alpha, a1), a2)
        emit = jnp.take_along_axis(lp, ext, axis=1)
        new = new + emit
        new = jnp.where((t < input_lengths)[:, None], new, alpha)
        return new, None

    ts = jnp.arange(1, Tt)
    alpha, _ = jax.lax.scan(step, alpha0, (log_probs[1:], ts))
    bidx = jnp.arange(Bb)
    l1 = alpha[bidx, 2 * target_lengths]
    l2 = alpha[bidx, jnp.maximum(2 * target_lengths - 1, 0)]
    return -jnp.logaddexp(l1, l2)


def reference(inputs, labels, encoder_output, ctc_targets, input_lengths, target_lengths, weight):
    batch_size = labels.shape[0]
    scores = inputs.reshape(-1, inputs.shape[-1])
    num_tokens = scores.shape[-1]
    gtruth = labels.reshape(-1)
    # label smoothing: build smoothed one-hot targets (detached constants)
    fill = SMOOTH / (num_tokens - 2)
    tmp = jnp.full((gtruth.shape[0], num_tokens), fill, dtype=jnp.float32)
    tmp = tmp.at[:, PAD].set(0.0)
    tmp = tmp.at[jnp.arange(gtruth.shape[0]), gtruth].set(CONF)
    pad_mask = (gtruth == PAD)
    tmp = jnp.where(pad_mask[:, None], 0.0, tmp)
    # KLDivLoss(reduction='none'): target * (log(target) - input), 0 where target==0
    safe = jnp.where(tmp > 0, tmp, 1.0)
    kl = jnp.where(tmp > 0, tmp * (jnp.log(safe) - scores), 0.0)
    att_loss = kl.reshape(batch_size, -1).sum(-1)
    ctc = _ctc_loss(encoder_output, ctc_targets, input_lengths, target_lengths)
    loss = weight * att_loss + (1.0 - weight) * ctc
    # normalization = 1.0, reduce=True
    return loss.sum()

if __name__ == "__main__":
    import jax
    _d = setup_inputs()
    print(jax.jit(kernel)(*tuple(_d.values())))

</pallas_src>

<mosaic_0001>
#map = affine_map<(d0, d1) -> (0)>
module attributes {stable_mosaic.version = 14 : i64} {
  func.func @_sc_gather(%arg0: i32, %arg1: i32, %arg2: memref<32768000xf32, #tpu.memory_space<hbm>>, %arg3: memref<524288xi32, #tpu.memory_space<hbm>>, %arg4: memref<4096xi32, #tpu.memory_space<hbm>>, %arg5: memref<524288xf32, #tpu.memory_space<hbm>>, %arg6: memref<4096xf32, #tpu.memory_space<hbm>>, %arg7: memref<16384xi32, #tpu.memory_space<vmem>>, %arg8: memref<16384xf32, #tpu.memory_space<vmem>>, %arg9: memref<128xi32, #tpu.memory_space<vmem>>, %arg10: memref<128xf32, #tpu.memory_space<vmem>>, %arg11: memref<!tpu.dma_semaphore, #tpu.memory_space<semaphore_mem>>) attributes {dimension_semantics = [#tpu.dimension_semantics<core_parallel>, #tpu.dimension_semantics<subcore_parallel>], iteration_bounds = array<i64: 2, 16>, scalar_prefetch = 0 : i64, scratch_operands = 5 : i64, tpu.core_type = #tpu.core_type<sc_vector_subcore>, window_params = [{transform_indices = #map}, {transform_indices = #map}, {transform_indices = #map}, {transform_indices = #map}, {transform_indices = #map}]} {
    %mul3A = arith.constant 2 : i32
    %mul3A_0 = arith.muli %arg1, %mul3A : i32
    %add3A = arith.addi %mul3A_0, %arg0 : i32
    %mul3A_1 = arith.constant 16384 : i32
    %mul3A_2 = arith.muli %add3A, %mul3A_1 : i32
    %mul3A_3 = arith.constant 128 : i32
    %mul3A_4 = arith.muli %add3A, %mul3A_3 : i32
    "tpu.region"() ({
      %run_scoped3A = tpu.sem_alloc : memref<!tpu.dma_semaphore, #tpu.memory_space<semaphore_mem>>
      %dma_start3A_11 = tpu.memref_slice %arg3[%mul3A_2] : memref<524288xi32, #tpu.memory_space<hbm>> -> memref<16384xi32, #tpu.memory_space<hbm>>
      %dma_start3A_12 = tpu.memref_slice %arg3[%mul3A_2] : memref<524288xi32, #tpu.memory_space<hbm>> -> memref<16384xi32, #tpu.memory_space<hbm>>
      tpu.enqueue_dma source(%dma_start3A_12 : memref<16384xi32, #tpu.memory_space<hbm>>) target(%arg7 : memref<16384xi32, #tpu.memory_space<vmem>>) target_semaphore(%run_scoped3A : memref<!tpu.dma_semaphore, #tpu.memory_space<semaphore_mem>>)
      %dma_wait3A_13 = tpu.memref_slice %arg3[%mul3A_2] : memref<524288xi32, #tpu.memory_space<hbm>> -> memref<16384xi32, #tpu.memory_space<hbm>>
      %dma_wait3A_14 = tpu.memref_slice %arg3[%mul3A_2] : memref<524288xi32, #tpu.memory_space<hbm>> -> memref<16384xi32, #tpu.memory_space<hbm>>
      tpu.wait_dma2 semaphore(%run_scoped3A : memref<!tpu.dma_semaphore, #tpu.memory_space<semaphore_mem>>) src(%dma_wait3A_14 : memref<16384xi32, #tpu.memory_space<hbm>>) dst(%arg7 : memref<16384xi32, #tpu.memory_space<vmem>>)
      tpu.yield
    }) : () -> ()
    "tpu.region"() ({
      %run_scoped3A = tpu.sem_alloc : memref<!tpu.dma_semaphore, #tpu.memory_space<semaphore_mem>>
      %dma_start3A_11 = tpu.memref_slice %arg4[%mul3A_4] : memref<4096xi32, #tpu.memory_space<hbm>> -> memref<128xi32, #tpu.memory_space<hbm>>
      %dma_start3A_12 = tpu.memref_slice %arg4[%mul3A_4] : memref<4096xi32, #tpu.memory_space<hbm>> -> memref<128xi32, #tpu.memory_space<hbm>>
      tpu.enqueue_dma source(%dma_start3A_12 : memref<128xi32, #tpu.memory_space<hbm>>) target(%arg9 : memref<128xi32, #tpu.memory_space<vmem>>) target_semaphore(%run_scoped3A : memref<!tpu.dma_semaphore, #tpu.memory_space<semaphore_mem>>)
      %dma_wait3A_13 = tpu.memref_slice %arg4[%mul3A_4] : memref<4096xi32, #tpu.memory_space<hbm>> -> memref<128xi32, #tpu.memory_space<hbm>>
      %dma_wait3A_14 = tpu.memref_slice %arg4[%mul3A_4] : memref<4096xi32, #tpu.memory_space<hbm>> -> memref<128xi32, #tpu.memory_space<hbm>>
      tpu.wait_dma2 semaphore(%run_scoped3A : memref<!tpu.dma_semaphore, #tpu.memory_space<semaphore_mem>>) src(%dma_wait3A_14 : memref<128xi32, #tpu.memory_space<hbm>>) dst(%arg9 : memref<128xi32, #tpu.memory_space<vmem>>)
      tpu.yield
    }) : () -> ()
    %dma_start3A = arith.constant 0 : i32
    %dma_start3A_5 = tpu.memref_slice %arg2[%dma_start3A] : memref<32768000xf32, #tpu.memory_space<hbm>> -> memref<32768000xf32, #tpu.memory_space<hbm>>
    tpu.enqueue_indirect_dma source(%dma_start3A_5 : memref<32768000xf32, #tpu.memory_space<hbm>>) target(%arg8 : memref<16384xf32, #tpu.memory_space<vmem>>) offsets(%arg7 : memref<16384xi32, #tpu.memory_space<vmem>>) semaphore(%arg11 : memref<!tpu.dma_semaphore, #tpu.memory_space<semaphore_mem>>)
    %dma_start3A_6 = arith.constant 0 : i32
    %dma_start3A_7 = tpu.memref_slice %arg2[%dma_start3A_6] : memref<32768000xf32, #tpu.memory_space<hbm>> -> memref<32768000xf32, #tpu.memory_space<hbm>>
    tpu.enqueue_indirect_dma source(%dma_start3A_7 : memref<32768000xf32, #tpu.memory_space<hbm>>) target(%arg10 : memref<128xf32, #tpu.memory_space<vmem>>) offsets(%arg9 : memref<128xi32, #tpu.memory_space<vmem>>) semaphore(%arg11 : memref<!tpu.dma_semaphore, #tpu.memory_space<semaphore_mem>>)
    %dma_wait3A = arith.constant 0 : i32
    %dma_wait3A_8 = tpu.memref_slice %arg2[%dma_wait3A] : memref<32768000xf32, #tpu.memory_space<hbm>> -> memref<32768000xf32, #tpu.memory_space<hbm>>
    tpu.wait_indirect_dma semaphore(%arg11 : memref<!tpu.dma_semaphore, #tpu.memory_space<semaphore_mem>>) src(%dma_wait3A_8 : memref<32768000xf32, #tpu.memory_space<hbm>>) dst(%arg8 : memref<16384xf32, #tpu.memory_space<vmem>>)
    %dma_wait3A_9 = arith.constant 0 : i32
    %dma_wait3A_10 = tpu.memref_slice %arg2[%dma_wait3A_9] : memref<32768000xf32, #tpu.memory_space<hbm>> -> memref<32768000xf32, #tpu.memory_space<hbm>>
    tpu.wait_indirect_dma semaphore(%arg11 : memref<!tpu.dma_semaphore, #tpu.memory_space<semaphore_mem>>) src(%dma_wait3A_10 : memref<32768000xf32, #tpu.memory_space<hbm>>) dst(%arg10 : memref<128xf32, #tpu.memory_space<vmem>>)
    "tpu.region"() ({
      %run_scoped3A = tpu.sem_alloc : memref<!tpu.dma_semaphore, #tpu.memory_space<semaphore_mem>>
      %dma_start3A_11 = tpu.memref_slice %arg5[%mul3A_2] : memref<524288xf32, #tpu.memory_space<hbm>> -> memref<16384xf32, #tpu.memory_space<hbm>>
      %dma_start3A_12 = tpu.memref_slice %arg5[%mul3A_2] : memref<524288xf32, #tpu.memory_space<hbm>> -> memref<16384xf32, #tpu.memory_space<hbm>>
      tpu.enqueue_dma source(%arg8 : memref<16384xf32, #tpu.memory_space<vmem>>) target(%dma_start3A_12 : memref<16384xf32, #tpu.memory_space<hbm>>) target_semaphore(%run_scoped3A : memref<!tpu.dma_semaphore, #tpu.memory_space<semaphore_mem>>)
      %dma_wait3A_13 = tpu.memref_slice %arg5[%mul3A_2] : memref<524288xf32, #tpu.memory_space<hbm>> -> memref<16384xf32, #tpu.memory_space<hbm>>
      %dma_wait3A_14 = tpu.memref_slice %arg5[%mul3A_2] : memref<524288xf32, #tpu.memory_space<hbm>> -> memref<16384xf32, #tpu.memory_space<hbm>>
      tpu.wait_dma2 semaphore(%run_scoped3A : memref<!tpu.dma_semaphore, #tpu.memory_space<semaphore_mem>>) src(%arg8 : memref<16384xf32, #tpu.memory_space<vmem>>) dst(%dma_wait3A_14 : memref<16384xf32, #tpu.memory_space<hbm>>)
      tpu.yield
    }) : () -> ()
    "tpu.region"() ({
      %run_scoped3A = tpu.sem_alloc : memref<!tpu.dma_semaphore, #tpu.memory_space<semaphore_mem>>
      %dma_start3A_11 = tpu.memref_slice %arg6[%mul3A_4] : memref<4096xf32, #tpu.memory_space<hbm>> -> memref<128xf32, #tpu.memory_space<hbm>>
      %dma_start3A_12 = tpu.memref_slice %arg6[%mul3A_4] : memref<4096xf32, #tpu.memory_space<hbm>> -> memref<128xf32, #tpu.memory_space<hbm>>
      tpu.enqueue_dma source(%arg10 : memref<128xf32, #tpu.memory_space<vmem>>) target(%dma_start3A_12 : memref<128xf32, #tpu.memory_space<hbm>>) target_semaphore(%run_scoped3A : memref<!tpu.dma_semaphore, #tpu.memory_space<semaphore_mem>>)
      %dma_wait3A_13 = tpu.memref_slice %arg6[%mul3A_4] : memref<4096xf32, #tpu.memory_space<hbm>> -> memref<128xf32, #tpu.memory_space<hbm>>
      %dma_wait3A_14 = tpu.memref_slice %arg6[%mul3A_4] : memref<4096xf32, #tpu.memory_space<hbm>> -> memref<128xf32, #tpu.memory_space<hbm>>
      tpu.wait_dma2 semaphore(%run_scoped3A : memref<!tpu.dma_semaphore, #tpu.memory_space<semaphore_mem>>) src(%arg10 : memref<128xf32, #tpu.memory_space<vmem>>) dst(%dma_wait3A_14 : memref<128xf32, #tpu.memory_space<hbm>>)
      tpu.yield
    }) : () -> ()
    return
  }
}

module attributes {stable_mosaic.version = 14 : i64} {
  func.func @_att_body(%arg0: i32, %arg1: memref<1x128x8000xf32, #tpu.memory_space<vmem>>, %arg2: memref<1x128x1xi32, #tpu.memory_space<vmem>>, %arg3: memref<1x1xf32, #tpu.memory_space<vmem>>) attributes {dimension_semantics = [#tpu.dimension_semantics<arbitrary>], iteration_bounds = array<i64: 16>, scalar_prefetch = 0 : i64, scratch_operands = 0 : i64, tpu.core_type = #tpu.core_type<tc>, window_params = [{transform_indices = @transform_0, window_bounds = array<i64: 1, 128, 8000>}, {transform_indices = @transform_1, window_bounds = array<i64: 1, 128, 1>}, {pipeline_mode = #tpu.pipeline_mode<synchronous>, transform_indices = @transform_2, window_bounds = array<i64: 1, 1>}]} {
    %get3A = arith.constant 0 : index
    %get3A_0 = arith.constant 0 : index
    %get3A_1 = arith.constant 0 : index
    %get3A_2 = vector.load %arg1[%get3A, %get3A_0, %get3A_1] : memref<1x128x8000xf32, #tpu.memory_space<vmem>>, vector<1x128x8000xf32>
    %get3A_3 = vector.shape_cast %get3A_2 : vector<1x128x8000xf32> to vector<128x8000xf32>
    %get3A_4 = arith.constant 0 : index
    %get3A_5 = arith.constant 0 : index
    %get3A_6 = arith.constant 0 : index
    %get3A_7 = vector.load %arg2[%get3A_4, %get3A_5, %get3A_6] : memref<1x128x1xi32, #tpu.memory_space<vmem>>, vector<1x128x1xi32>
    %get3A_8 = vector.shape_cast %get3A_7 : vector<1x128x1xi32> to vector<128x1xi32>
    %iota3A = tpu.iota {dimensions = array<i32: 1>} : vector<128x8000xi32>
    %reduce_sum3A = arith.constant dense<0.000000e+00> : vector<128xf32>
    %reduce_sum3A_9 = vector.multi_reduction <add>, %get3A_3, %reduce_sum3A [1] : vector<128x8000xf32> to vector<128xf32>
    %broadcast_in_dim3A = vector.shape_cast %reduce_sum3A_9 : vector<128xf32> to vector<128x1xf32>
    %slice3A = vector.extract_strided_slice %get3A_3 {offsets = [0, 0], sizes = [128, 1], strides = [1, 1]} : vector<128x8000xf32> to vector<128x1xf32>
    %eq3A = vector.broadcast %get3A_8 : vector<128x1xi32> to vector<128x8000xi32>
    %eq3A_10 = arith.cmpi eq, %iota3A, %eq3A : vector<128x8000xi32>
    %jit3A = arith.constant 0.000000e+00 : f32
    %broadcast_in_dim3A_11 = vector.broadcast %jit3A : f32 to vector<128x8000xf32>
    %select_n3A = arith.select %eq3A_10, %get3A_3, %broadcast_in_dim3A_11 : vector<128x8000xi1>, vector<128x8000xf32>
    %reduce_sum3A_12 = arith.constant dense<0.000000e+00> : vector<128xf32>
    %reduce_sum3A_13 = vector.multi_reduction <add>, %select_n3A, %reduce_sum3A_12 [1] : vector<128x8000xf32> to vector<128xf32>
    %broadcast_in_dim3A_14 = vector.shape_cast %reduce_sum3A_13 : vector<128xf32> to vector<128x1xf32>
    %ne3A = arith.constant 0 : i32
    %ne3A_15 = vector.broadcast %ne3A : i32 to vector<128x1xi32>
    %ne3A_16 = arith.cmpi ne, %get3A_8, %ne3A_15 : vector<128x1xi32>
    %mul3A = arith.constant 1.25031256E-5 : f32
    %mul3A_17 = vector.broadcast %mul3A : f32 to vector<128x1xf32>
    %mul3A_18 = arith.mulf %mul3A_17, %broadcast_in_dim3A : vector<128x1xf32>
    %sub3A = arith.constant -1.22377765 : f32
    %sub3A_19 = vector.broadcast %sub3A : f32 to vector<128x1xf32>
    %sub3A_20 = arith.subf %sub3A_19, %mul3A_18 : vector<128x1xf32>
    %mul3A_21 = arith.constant 1.25031256E-5 : f32
    %mul3A_22 = vector.broadcast %mul3A_21 : f32 to vector<128x1xf32>
    %mul3A_23 = arith.mulf %mul3A_22, %slice3A : vector<128x1xf32>
    %add3A = arith.addf %sub3A_20, %mul3A_23 : vector<128x1xf32>
    %mul3A_24 = arith.constant -0.899987518 : f32
    %mul3A_25 = vector.broadcast %mul3A_24 : f32 to vector<128x1xf32>
    %mul3A_26 = arith.mulf %mul3A_25, %broadcast_in_dim3A_14 : vector<128x1xf32>
    %add3A_27 = arith.addf %add3A, %mul3A_26 : vector<128x1xf32>
    %jit3A_28 = arith.constant 0.000000e+00 : f32
    %broadcast_in_dim3A_29 = vector.broadcast %jit3A_28 : f32 to vector<128x1xf32>
    %select_n3A_30 = arith.select %ne3A_16, %add3A_27, %broadcast_in_dim3A_29 : vector<128x1xi1>, vector<128x1xf32>
    %eq3A_31 = arith.constant 0 : i32
    %eq3A_32 = arith.cmpi eq, %arg0, %eq3A_31 : i32
    %convert_element_type3A = arith.extui %eq3A_32 : i1 to i32
    %cond3A = arith.constant 0 : i32
    %cond3A_33 = arith.cmpi ne, %convert_element_type3A, %cond3A : i32
    scf.if %cond3A_33 {
      %broadcast_in_dim3A_45 = arith.constant 0.000000e+00 : f32
      %broadcast_in_dim3A_46 = vector.broadcast %broadcast_in_dim3A_45 : f32 to vector<1x1xf32>
      %swap3A_47 = arith.constant 0 : index
      %swap3A_48 = arith.constant 0 : index
      %swap3A_49 = vector.load %arg3[%swap3A_47, %swap3A_48] : memref<1x1xf32, #tpu.memory_space<vmem>>, vector<1x1xf32>
      tpu.vector_store %arg3[%swap3A_47, %swap3A_48], %broadcast_in_dim3A_46 {strides = array<i32>} : memref<1x1xf32, #tpu.memory_space<vmem>>, vector<1x1xf32>,
    } else {
    }
    %get3A_34 = arith.constant 0 : index
    %get3A_35 = arith.constant 0 : index
    %get3A_36 = vector.load %arg3[%get3A_34, %get3A_35] : memref<1x1xf32, #tpu.memory_space<vmem>>, vector<1x1xf32>
    %reduce_sum3A_37 = vector.shape_cast %select_n3A_30 : vector<128x1xf32> to vector<1x128x1xf32>
    %reduce_sum3A_38 = arith.constant dense<0.000000e+00> : vector<1xf32>
    %reduce_sum3A_39 = vector.multi_reduction <add>, %reduce_sum3A_37, %reduce_sum3A_38 [1, 2] : vector<1x128x1xf32> to vector<1xf32>
    %reduce_sum3A_40 = vector.shape_cast %reduce_sum3A_39 : vector<1xf32> to vector<1x1x1xf32>
    %reduce_sum3A_41 = vector.extract %reduce_sum3A_40[0, 0, 0] : f32 from vector<1x1x1xf32>
    %reshape3A = vector.broadcast %reduce_sum3A_41 : f32 to vector<1x1xf32>
    %add3A_42 = arith.addf %get3A_36, %reshape3A : vector<1x1xf32>
    %swap3A = arith.constant 0 : index
    %swap3A_43 = arith.constant 0 : index
    %swap3A_44 = vector.load %arg3[%swap3A, %swap3A_43] : memref<1x1xf32, #tpu.memory_space<vmem>>, vector<1x1xf32>
    tpu.vector_store %arg3[%swap3A, %swap3A_43], %add3A_42 {strides = array<i32>} : memref<1x1xf32, #tpu.memory_space<vmem>>, vector<1x1xf32>,
    return
  }
  func.func @transform_0(%arg0: i32) -> (i32, i32, i32) {
    %c0_i32 = arith.constant 0 : i32
    %c0_i32_0 = arith.constant 0 : i32
    %c0_i32_1 = arith.constant 0 : i32
    return %arg0, %c0_i32, %c0_i32_0 : i32, i32, i32
  }
  func.func @transform_1(%arg0: i32) -> (i32, i32, i32) {
    %c0_i32 = arith.constant 0 : i32
    %c0_i32_0 = arith.constant 0 : i32
    %c0_i32_1 = arith.constant 0 : i32
    return %arg0, %c0_i32, %c0_i32_0 : i32, i32, i32
  }
  func.func @transform_2(%arg0: i32) -> (i32, i32) {
    %c0_i32 = arith.constant 0 : i32
    %c0_i32_0 = arith.constant 0 : i32
    %c0_i32_1 = arith.constant 0 : i32
    return %c0_i32, %c0_i32_0 : i32, i32
  }
}

module attributes {stable_mosaic.version = 14 : i64} {
  func.func @_ctc_body(%arg0: memref<256x16x128xf32, #tpu.memory_space<vmem>>, %arg1: memref<256x16x1xf32, #tpu.memory_space<vmem>>, %arg2: memref<16x128xi32, #tpu.memory_space<vmem>>, %arg3: memref<16x1xi32, #tpu.memory_space<vmem>>, %arg4: memref<1x1xf32, #tpu.memory_space<vmem>>, %arg5: memref<1x1xf32, #tpu.memory_space<vmem>>, %arg6: memref<1x1xf32, #tpu.memory_space<vmem>>) attributes {dimension_semantics = [], scalar_prefetch = 0 : i64, scratch_operands = 0 : i64, tpu.core_type = #tpu.core_type<tc>} {
    %get3A = arith.constant 0 : index
    %get3A_0 = arith.constant 0 : index
    %get3A_1 = vector.load %arg2[%get3A, %get3A_0] : memref<16x128xi32, #tpu.memory_space<vmem>>, vector<16x128xi32>
    %ne3A = arith.constant 0 : i32
    %ne3A_2 = vector.broadcast %ne3A : i32 to vector<16x128xi32>
    %ne3A_3 = arith.cmpi ne, %get3A_1, %ne3A_2 : vector<16x128xi32>
    %get3A_4 = arith.constant 0 : index
    %get3A_5 = arith.constant 0 : index
    %get3A_6 = vector.load %arg3[%get3A_4, %get3A_5] : memref<16x1xi32, #tpu.memory_space<vmem>>, vector<16x1xi32>
    %iota3A = tpu.iota {dimensions = array<i32: 1>} : vector<16x256xi32>
    %iota3A_7 = tpu.iota {dimensions = array<i32: 1>} : vector<16x128xi32>
    %broadcast_in_dim3A = arith.constant -1.000000e+30 : f32
    %broadcast_in_dim3A_8 = vector.broadcast %broadcast_in_dim3A : f32 to vector<16x1xf32>
    %broadcast_in_dim3A_9 = arith.constant -1.000000e+30 : f32
    %broadcast_in_dim3A_10 = vector.broadcast %broadcast_in_dim3A_9 : f32 to vector<16x127xf32>
    %eq3A = arith.constant 0 : i32
    %eq3A_11 = vector.broadcast %eq3A : i32 to vector<16x256xi32>
    %eq3A_12 = arith.cmpi eq, %iota3A, %eq3A_11 : vector<16x256xi32>
    %get3A_13 = arith.constant 0 : index
    %get3A_14 = arith.constant 0 : index
    %get3A_15 = arith.constant 0 : index
    %get3A_16 = vector.load %arg1[%get3A_13, %get3A_14, %get3A_15] : memref<256x16x1xf32, #tpu.memory_space<vmem>>, vector<1x16x1xf32>
    %get3A_17 = vector.shape_cast %get3A_16 : vector<1x16x1xf32> to vector<16x1xf32>
    %jit3A = arith.constant -1.000000e+30 : f32
    %broadcast_in_dim3A_18 = vector.shape_cast %get3A_17 : vector<16x1xf32> to vector<16x1xf32>
    %broadcast_in_dim3A_19 = vector.broadcast %broadcast_in_dim3A_18 : vector<16x1xf32> to vector<16x256xf32>
    %broadcast_in_dim3A_20 = vector.broadcast %jit3A : f32 to vector<16x256xf32>
    %select_n3A = arith.select %eq3A_12, %broadcast_in_dim3A_19, %broadcast_in_dim3A_20 : vector<16x256xi1>, vector<16x256xf32>
    %eq3A_21 = arith.constant 0 : i32
    %eq3A_22 = vector.broadcast %eq3A_21 : i32 to vector<16x128xi32>
    %eq3A_23 = arith.cmpi eq, %iota3A_7, %eq3A_22 : vector<16x128xi32>
    %get3A_24 = arith.constant 0 : index
    %get3A_25 = arith.constant 0 : index
    %get3A_26 = arith.constant 0 : index
    %get3A_27 = vector.load %arg0[%get3A_24, %get3A_25, %get3A_26] : memref<256x16x128xf32, #tpu.memory_space<vmem>>, vector<1x16x128xf32>
    %get3A_28 = vector.shape_cast %get3A_27 : vector<1x16x128xf32> to vector<16x128xf32>
    %slice3A = vector.extract_strided_slice %get3A_28 {offsets = [0, 0], sizes = [16, 1], strides = [1, 1]} : vector<16x128xf32> to vector<16x1xf32>
    %jit3A_29 = arith.constant -1.000000e+30 : f32
    %broadcast_in_dim3A_30 = vector.shape_cast %slice3A : vector<16x1xf32> to vector<16x1xf32>
    %broadcast_in_dim3A_31 = vector.broadcast %broadcast_in_dim3A_30 : vector<16x1xf32> to vector<16x128xf32>
    %broadcast_in_dim3A_32 = vector.broadcast %jit3A_29 : f32 to vector<16x128xf32>
    %select_n3A_33 = arith.select %eq3A_23, %broadcast_in_dim3A_31, %broadcast_in_dim3A_32 : vector<16x128xi1>, vector<16x128xf32>
    %scan3A = arith.constant -1.000000e+30 : f32
    %scan3A_34 = arith.constant 1 : i32
    %scan3A_35 = arith.constant 254 : i32
    %scan3A_36 = arith.addi %scan3A_34, %scan3A_35 : i32
    %scan3A_37 = arith.constant 2 : i32
    %scan3A_38:2 = scf.for %scan3A_121 = %scan3A_34 to %scan3A_36 step %scan3A_37 iter_args(%scan3A_122 = %select_n3A, %scan3A_123 = %select_n3A_33) -> (vector<16x256xf32>, vector<16x128xf32>)  : i32 {
      %get3A_124 = arith.index_cast %scan3A_121 : i32 to index
      %get3A_125 = arith.constant 0 : index
      %get3A_126 = arith.constant 0 : index
      %get3A_127 = vector.load %arg0[%get3A_124, %get3A_125, %get3A_126] : memref<256x16x128xf32, #tpu.memory_space<vmem>>, vector<1x16x128xf32>
      %get3A_128 = vector.shape_cast %get3A_127 : vector<1x16x128xf32> to vector<16x128xf32>
      %get3A_129 = arith.index_cast %scan3A_121 : i32 to index
      %get3A_130 = arith.constant 0 : index
      %get3A_131 = arith.constant 0 : index
      %get3A_132 = vector.load %arg1[%get3A_129, %get3A_130, %get3A_131] : memref<256x16x1xf32, #tpu.memory_space<vmem>>, vector<1x16x1xf32>
      %get3A_133 = vector.shape_cast %get3A_132 : vector<1x16x1xf32> to vector<16x1xf32>
      %slice3A_134 = vector.extract_strided_slice %scan3A_123 {offsets = [0, 0], sizes = [16, 127], strides = [1, 1]} : vector<16x128xf32> to vector<16x127xf32>
      %concatenate3A_135 = tpu.concatenate %broadcast_in_dim3A_8, %slice3A_134 in 1 : vector<16x1xf32>, vector<16x127xf32> -> vector<16x128xf32>
      %broadcast_in_dim3A_136 = vector.broadcast %scan3A : f32 to vector<16x128xf32>
      %select_n3A_137 = arith.select %ne3A_3, %concatenate3A_135, %broadcast_in_dim3A_136 : vector<16x128xi1>, vector<16x128xf32>
      %slice3A_138 = vector.extract_strided_slice %scan3A_122 {offsets = [0, 0], sizes = [16, 128], strides = [1, 1]} : vector<16x256xf32> to vector<16x128xf32>
      %max3A_139 = arith.maximumf %scan3A_123, %slice3A_138 : vector<16x128xf32>
      %max3A_140 = arith.maximumf %max3A_139, %select_n3A_137 : vector<16x128xf32>
      %sub3A_141 = arith.subf %scan3A_123, %max3A_140 : vector<16x128xf32>
      %exp3A_142 = math.exp %sub3A_141 : vector<16x128xf32>
      %sub3A_143 = arith.subf %slice3A_138, %max3A_140 : vector<16x128xf32>
      %exp3A_144 = math.exp %sub3A_143 : vector<16x128xf32>
      %add3A_145 = arith.addf %exp3A_142, %exp3A_144 : vector<16x128xf32>
      %sub3A_146 = arith.subf %select_n3A_137, %max3A_140 : vector<16x128xf32>
      %exp3A_147 = math.exp %sub3A_146 : vector<16x128xf32>
      %add3A_148 = arith.addf %add3A_145, %exp3A_147 : vector<16x128xf32>
      %log3A_149 = math.log %add3A_148 : vector<16x128xf32>
      %add3A_150 = arith.addf %max3A_140, %log3A_149 : vector<16x128xf32>
      %add3A_151 = arith.addf %add3A_150, %get3A_128 : vector<16x128xf32>
      %concatenate3A_152 = tpu.concatenate %broadcast_in_dim3A_8, %scan3A_123, %broadcast_in_dim3A_10 in 1 : vector<16x1xf32>, vector<16x128xf32>, vector<16x127xf32> -> vector<16x256xf32>
      %max3A_153 = arith.maximumf %scan3A_122, %concatenate3A_152 : vector<16x256xf32>
      %sub3A_154 = arith.subf %scan3A_122, %concatenate3A_152 : vector<16x256xf32>
      %abs3A_155 = math.absf %sub3A_154 : vector<16x256xf32>
      %neg3A_156 = arith.constant 0.000000e+00 : f32
      %neg3A_157 = vector.broadcast %neg3A_156 : f32 to vector<16x256xf32>
      %neg3A_158 = arith.subf %neg3A_157, %abs3A_155 : vector<16x256xf32>
      %exp3A_159 = math.exp %neg3A_158 : vector<16x256xf32>
      %log1p3A_160 = math.log1p %exp3A_159 : vector<16x256xf32>
      %add3A_161 = arith.addf %max3A_153, %log1p3A_160 : vector<16x256xf32>
      %add3A_162 = vector.broadcast %get3A_133 : vector<16x1xf32> to vector<16x256xf32>
      %add3A_163 = arith.addf %add3A_161, %add3A_162 : vector<16x256xf32>
      %scan3A_164 = arith.constant 1 : i32
      %scan3A_165 = arith.addi %scan3A_121, %scan3A_164 : i32
      %get3A_166 = arith.index_cast %scan3A_165 : i32 to index
      %get3A_167 = arith.constant 0 : index
      %get3A_168 = arith.constant 0 : index
      %get3A_169 = vector.load %arg0[%get3A_166, %get3A_167, %get3A_168] : memref<256x16x128xf32, #tpu.memory_space<vmem>>, vector<1x16x128xf32>
      %get3A_170 = vector.shape_cast %get3A_169 : vector<1x16x128xf32> to vector<16x128xf32>
      %get3A_171 = arith.index_cast %scan3A_165 : i32 to index
      %get3A_172 = arith.constant 0 : index
      %get3A_173 = arith.constant 0 : index
      %get3A_174 = vector.load %arg1[%get3A_171, %get3A_172, %get3A_173] : memref<256x16x1xf32, #tpu.memory_space<vmem>>, vector<1x16x1xf32>
      %get3A_175 = vector.shape_cast %get3A_174 : vector<1x16x1xf32> to vector<16x1xf32>
      %slice3A_176 = vector.extract_strided_slice %add3A_151 {offsets = [0, 0], sizes = [16, 127], strides = [1, 1]} : vector<16x128xf32> to vector<16x127xf32>
      %concatenate3A_177 = tpu.concatenate %broadcast_in_dim3A_8, %slice3A_176 in 1 : vector<16x1xf32>, vector<16x127xf32> -> vector<16x128xf32>
      %broadcast_in_dim3A_178 = vector.broadcast %scan3A : f32 to vector<16x128xf32>
      %select_n3A_179 = arith.select %ne3A_3, %concatenate3A_177, %broadcast_in_dim3A_178 : vector<16x128xi1>, vector<16x128xf32>
      %slice3A_180 = vector.extract_strided_slice %add3A_163 {offsets = [0, 0], sizes = [16, 128], strides = [1, 1]} : vector<16x256xf32> to vector<16x128xf32>
      %max3A_181 = arith.maximumf %add3A_151, %slice3A_180 : vector<16x128xf32>
      %max3A_182 = arith.maximumf %max3A_181, %select_n3A_179 : vector<16x128xf32>
      %sub3A_183 = arith.subf %add3A_151, %max3A_182 : vector<16x128xf32>
      %exp3A_184 = math.exp %sub3A_183 : vector<16x128xf32>
      %sub3A_185 = arith.subf %slice3A_180, %max3A_182 : vector<16x128xf32>
      %exp3A_186 = math.exp %sub3A_185 : vector<16x128xf32>
      %add3A_187 = arith.addf %exp3A_184, %exp3A_186 : vector<16x128xf32>
      %sub3A_188 = arith.subf %select_n3A_179, %max3A_182 : vector<16x128xf32>
      %exp3A_189 = math.exp %sub3A_188 : vector<16x128xf32>
      %add3A_190 = arith.addf %add3A_187, %exp3A_189 : vector<16x128xf32>
      %log3A_191 = math.log %add3A_190 : vector<16x128xf32>
      %add3A_192 = arith.addf %max3A_182, %log3A_191 : vector<16x128xf32>
      %add3A_193 = arith.addf %add3A_192, %get3A_170 : vector<16x128xf32>
      %concatenate3A_194 = tpu.concatenate %broadcast_in_dim3A_8, %add3A_151, %broadcast_in_dim3A_10 in 1 : vector<16x1xf32>, vector<16x128xf32>, vector<16x127xf32> -> vector<16x256xf32>
      %max3A_195 = arith.maximumf %add3A_163, %concatenate3A_194 : vector<16x256xf32>
      %sub3A_196 = arith.subf %add3A_163, %concatenate3A_194 : vector<16x256xf32>
      %abs3A_197 = math.absf %sub3A_196 : vector<16x256xf32>
      %neg3A_198 = arith.constant 0.000000e+00 : f32
      %neg3A_199 = vector.broadcast %neg3A_198 : f32 to vector<16x256xf32>
      %neg3A_200 = arith.subf %neg3A_199, %abs3A_197 : vector<16x256xf32>
      %exp3A_201 = math.exp %neg3A_200 : vector<16x256xf32>
      %log1p3A_202 = math.log1p %exp3A_201 : vector<16x256xf32>
      %add3A_203 = arith.addf %max3A_195, %log1p3A_202 : vector<16x256xf32>
      %add3A_204 = vector.broadcast %get3A_175 : vector<16x1xf32> to vector<16x256xf32>
      %add3A_205 = arith.addf %add3A_203, %add3A_204 : vector<16x256xf32>
      scf.yield %add3A_205, %add3A_193 : vector<16x256xf32>, vector<16x128xf32>
    }
    %scan3A_39 = arith.constant 254 : i32
    %scan3A_40 = arith.addi %scan3A_34, %scan3A_39 : i32
    %get3A_41 = arith.index_cast %scan3A_40 : i32 to index
    %get3A_42 = arith.constant 0 : index
    %get3A_43 = arith.constant 0 : index
    %get3A_44 = vector.load %arg0[%get3A_41, %get3A_42, %get3A_43] : memref<256x16x128xf32, #tpu.memory_space<vmem>>, vector<1x16x128xf32>
    %get3A_45 = vector.shape_cast %get3A_44 : vector<1x16x128xf32> to vector<16x128xf32>
    %get3A_46 = arith.index_cast %scan3A_40 : i32 to index
    %get3A_47 = arith.constant 0 : index
    %get3A_48 = arith.constant 0 : index
    %get3A_49 = vector.load %arg1[%get3A_46, %get3A_47, %get3A_48] : memref<256x16x1xf32, #tpu.memory_space<vmem>>, vector<1x16x1xf32>
    %get3A_50 = vector.shape_cast %get3A_49 : vector<1x16x1xf32> to vector<16x1xf32>
    %slice3A_51 = vector.extract_strided_slice %scan3A_38#1 {offsets = [0, 0], sizes = [16, 127], strides = [1, 1]} : vector<16x128xf32> to vector<16x127xf32>
    %concatenate3A = tpu.concatenate %broadcast_in_dim3A_8, %slice3A_51 in 1 : vector<16x1xf32>, vector<16x127xf32> -> vector<16x128xf32>
    %broadcast_in_dim3A_52 = vector.broadcast %scan3A : f32 to vector<16x128xf32>
    %select_n3A_53 = arith.select %ne3A_3, %concatenate3A, %broadcast_in_dim3A_52 : vector<16x128xi1>, vector<16x128xf32>
    %slice3A_54 = vector.extract_strided_slice %scan3A_38#0 {offsets = [0, 0], sizes = [16, 128], strides = [1, 1]} : vector<16x256xf32> to vector<16x128xf32>
    %max3A = arith.maximumf %scan3A_38#1, %slice3A_54 : vector<16x128xf32>
    %max3A_55 = arith.maximumf %max3A, %select_n3A_53 : vector<16x128xf32>
    %sub3A = arith.subf %scan3A_38#1, %max3A_55 : vector<16x128xf32>
    %exp3A = math.exp %sub3A : vector<16x128xf32>
    %sub3A_56 = arith.subf %slice3A_54, %max3A_55 : vector<16x128xf32>
    %exp3A_57 = math.exp %sub3A_56 : vector<16x128xf32>
    %add3A = arith.addf %exp3A, %exp3A_57 : vector<16x128xf32>
    %sub3A_58 = arith.subf %select_n3A_53, %max3A_55 : vector<16x128xf32>
    %exp3A_59 = math.exp %sub3A_58 : vector<16x128xf32>
    %add3A_60 = arith.addf %add3A, %exp3A_59 : vector<16x128xf32>
    %log3A = math.log %add3A_60 : vector<16x128xf32>
    %add3A_61 = arith.addf %max3A_55, %log3A : vector<16x128xf32>
    %add3A_62 = arith.addf %add3A_61, %get3A_45 : vector<16x128xf32>
    %concatenate3A_63 = tpu.concatenate %broadcast_in_dim3A_8, %scan3A_38#1, %broadcast_in_dim3A_10 in 1 : vector<16x1xf32>, vector<16x128xf32>, vector<16x127xf32> -> vector<16x256xf32>
    %max3A_64 = arith.maximumf %scan3A_38#0, %concatenate3A_63 : vector<16x256xf32>
    %sub3A_65 = arith.subf %scan3A_38#0, %concatenate3A_63 : vector<16x256xf32>
    %abs3A = math.absf %sub3A_65 : vector<16x256xf32>
    %neg3A = arith.constant 0.000000e+00 : f32
    %neg3A_66 = vector.broadcast %neg3A : f32 to vector<16x256xf32>
    %neg3A_67 = arith.subf %neg3A_66, %abs3A : vector<16x256xf32>
    %exp3A_68 = math.exp %neg3A_67 : vector<16x256xf32>
    %log1p3A = math.log1p %exp3A_68 : vector<16x256xf32>
    %add3A_69 = arith.addf %max3A_64, %log1p3A : vector<16x256xf32>
    %add3A_70 = vector.broadcast %get3A_50 : vector<16x1xf32> to vector<16x256xf32>
    %add3A_71 = arith.addf %add3A_69, %add3A_70 : vector<16x256xf32>
    %scan3A_72 = arith.constant 255 : i32
    %eq3A_73 = vector.broadcast %get3A_6 : vector<16x1xi32> to vector<16x256xi32>
    %eq3A_74 = arith.cmpi eq, %iota3A, %eq3A_73 : vector<16x256xi32>
    %jit3A_75 = arith.constant 0.000000e+00 : f32
    %broadcast_in_dim3A_76 = vector.broadcast %jit3A_75 : f32 to vector<16x256xf32>
    %select_n3A_77 = arith.select %eq3A_74, %add3A_71, %broadcast_in_dim3A_76 : vector<16x256xi1>, vector<16x256xf32>
    %reduce_sum3A = arith.constant dense<0.000000e+00> : vector<16xf32>
    %reduce_sum3A_78 = vector.multi_reduction <add>, %select_n3A_77, %reduce_sum3A [1] : vector<16x256xf32> to vector<16xf32>
    %broadcast_in_dim3A_79 = vector.shape_cast %reduce_sum3A_78 : vector<16xf32> to vector<16x1xf32>
    %sub3A_80 = arith.constant 1 : i32
    %sub3A_81 = vector.broadcast %sub3A_80 : i32 to vector<16x1xi32>
    %sub3A_82 = arith.subi %get3A_6, %sub3A_81 : vector<16x1xi32>
    %eq3A_83 = vector.broadcast %sub3A_82 : vector<16x1xi32> to vector<16x128xi32>
    %eq3A_84 = arith.cmpi eq, %iota3A_7, %eq3A_83 : vector<16x128xi32>
    %jit3A_85 = arith.constant 0.000000e+00 : f32
    %broadcast_in_dim3A_86 = vector.broadcast %jit3A_85 : f32 to vector<16x128xf32>
    %select_n3A_87 = arith.select %eq3A_84, %add3A_62, %broadcast_in_dim3A_86 : vector<16x128xi1>, vector<16x128xf32>
    %reduce_sum3A_88 = arith.constant dense<0.000000e+00> : vector<16xf32>
    %reduce_sum3A_89 = vector.multi_reduction <add>, %select_n3A_87, %reduce_sum3A_88 [1] : vector<16x128xf32> to vector<16xf32>
    %broadcast_in_dim3A_90 = vector.shape_cast %reduce_sum3A_89 : vector<16xf32> to vector<16x1xf32>
    %max3A_91 = arith.maximumf %broadcast_in_dim3A_79, %broadcast_in_dim3A_90 : vector<16x1xf32>
    %sub3A_92 = arith.subf %broadcast_in_dim3A_79, %broadcast_in_dim3A_90 : vector<16x1xf32>
    %abs3A_93 = math.absf %sub3A_92 : vector<16x1xf32>
    %neg3A_94 = arith.constant 0.000000e+00 : f32
    %neg3A_95 = vector.broadcast %neg3A_94 : f32 to vector<16x1xf32>
    %neg3A_96 = arith.subf %neg3A_95, %abs3A_93 : vector<16x1xf32>
    %exp3A_97 = math.exp %neg3A_96 : vector<16x1xf32>
    %log1p3A_98 = math.log1p %exp3A_97 : vector<16x1xf32>
    %add3A_99 = arith.addf %max3A_91, %log1p3A_98 : vector<16x1xf32>
    %neg3A_100 = arith.constant 0.000000e+00 : f32
    %neg3A_101 = vector.broadcast %neg3A_100 : f32 to vector<16x1xf32>
    %neg3A_102 = arith.subf %neg3A_101, %add3A_99 : vector<16x1xf32>
    %reduce_sum3A_103 = vector.shape_cast %neg3A_102 : vector<16x1xf32> to vector<1x16x1xf32>
    %reduce_sum3A_104 = arith.constant dense<0.000000e+00> : vector<1xf32>
    %reduce_sum3A_105 = vector.multi_reduction <add>, %reduce_sum3A_103, %reduce_sum3A_104 [1, 2] : vector<1x16x1xf32> to vector<1xf32>
    %reduce_sum3A_106 = vector.shape_cast %reduce_sum3A_105 : vector<1xf32> to vector<1x1x1xf32>
    %reduce_sum3A_107 = vector.extract %reduce_sum3A_106[0, 0, 0] : f32 from vector<1x1x1xf32>
    %reshape3A = vector.broadcast %reduce_sum3A_107 : f32 to vector<1x1xf32>
    %get3A_108 = arith.constant 0 : index
    %get3A_109 = arith.constant 0 : index
    %get3A_110 = vector.load %arg5[%get3A_108, %get3A_109] : memref<1x1xf32, #tpu.memory_space<vmem>>, vector<1x1xf32>
    %get3A_111 = arith.constant 0 : index
    %get3A_112 = arith.constant 0 : index
    %get3A_113 = vector.load %arg4[%get3A_111, %get3A_112] : memref<1x1xf32, #tpu.memory_space<vmem>>, vector<1x1xf32>
    %mul3A = arith.mulf %get3A_110, %get3A_113 : vector<1x1xf32>
    %sub3A_114 = arith.constant 1.000000e+00 : f32
    %sub3A_115 = vector.broadcast %sub3A_114 : f32 to vector<1x1xf32>
    %sub3A_116 = arith.subf %sub3A_115, %get3A_110 : vector<1x1xf32>
    %mul3A_117 = arith.mulf %sub3A_116, %reshape3A : vector<1x1xf32>
    %add3A_118 = arith.addf %mul3A, %mul3A_117 : vector<1x1xf32>
    %swap3A = arith.constant 0 : index
    %swap3A_119 = arith.constant 0 : index
    %swap3A_120 = vector.load %arg6[%swap3A, %swap3A_119] : memref<1x1xf32, #tpu.memory_space<vmem>>, vector<1x1xf32>
    tpu.vector_store %arg6[%swap3A, %swap3A_119], %add3A_118 {strides = array<i32>} : memref<1x1xf32, #tpu.memory_space<vmem>>, vector<1x1xf32>,
    return
  }
}

</mosaic_0001>

<sc_bundles>
// kernel: kernel.5.cloned.1.call-start
scs
__scs_entry_jumppad:
0x0: {  	(pc) =	sbr.rel $0x88, $3  }
0x1: {  	(tag) =	ssettag $0x0;
	lr =	simm.s32 $0x1  }
0x2: {  	[smem:$0x3F9B] =	sst lr;
	_ =	strace $0xD0000000  }
0x3: {  	_ = 	snop  }
0x4: {  	_ = 	snop  }
0x5: {  	_ = 	snop  }
0x6: {  	_ = 	snop  }
0x7: {  	_ = 	snop  }
__scs_overlays_trampoline_lowered:
0x8: {  	[smem:$0x3FAA] =	sst s0  }
0x9: {  	[smem:$0x3FAB] =	sst s1  }
0xa: {  	[smem:$0x3FAC] =	sst s2  }
0xb: {  	[smem:$0x3FAD] =	sst s3  }
0xc: {  	[smem:$0x3FAE] =	sst s4  }
0xd: {  	[smem:$0x3FAF] =	sst s5  }
0xe: {  	[smem:$0x3FB0] =	sst s6  }
0xf: {  	[smem:$0x3FB1] =	sst s7  }
0x10: {  	[smem:$0x3FB2] =	sst s8  }
0x11: {  	[smem:$0x3FB3] =	sst s9;
	s0 =	simm.s32 @!p0 $0x0  }
0x12: {  	s1 =	sld [smem:$0x3F99];
	s0 =	simm.s32 @p0 $0x1  }
0x13: {  	[smem:$0x3FB4] =	sst s0;
	s0 =	simm.s32 @!p1 $0x0  }
0x14: {  	s2 =	sld [smem:$0x3F98];
	s0 =	simm.s32 @p1 $0x1  }
0x15: {  	[smem:$0x3FB5] =	sst s0;
	s0 =	simm.s32 @!p2 $0x0  }
0x16: {  	s3 =	sld [smem:$0x3FDB];
	s0 =	simm.s32 @p2 $0x1  }
0x17: {  	s4 =	simm.s32 $0x1BF5;
	[smem:$0x3FB7] =	sst s0  }
0x18: {  	s0 =	sld [smem:$0x3F9A];
	_ =	swait.ge [sflag:s4], $0x0  }
0x19: {  	s7 =	sld [smem:$0x3F9B]  }
0x1a: {  	s8 =	sadd.s32 $0xFFFFE003, lr  }
0x1b: {  	s9 =	sadd.s32 $0xFFFFFEF7, lr;
	s5 =	simm.s32 $0xFFFFFFFF;
	p2 =	slt.u32 s8, $0xFFFFF086  }
0x1c: {  	p1 =	slt.u32 s9, $0xF7A;
	s5 =	simm.s32 @!p2 $0x0  }
0x1d: {  	s5 =	simm.s32 @p1 $0x1;
	p0 =	seq.s32 s7, s2  }
0x1e: {  	s7 =	smul.u32 @!p0 $0xF7A, s2;
	p2 =	seq.s32 @!p0 s5, $0x0  }
0x1f: {  	s9 =	smul.u32 $0xF7A, s1;
	s8 =	simm.s32 @!p0 $0x1BF5;
	p2 =	por !p2, p0  }
0x20: {  	[sflag:s8] =	ssyncset.s32 @!p0 $0xFFFFF086;
	s6 =	sadd.s32 @!p0 s3, s7;
	s7 =	simm.s32 @!p0 $0x108  }
0x21: {  	s3 =	sadd.s32 s3, s9;
	s6 =	sadd.s32 @!p0 $0x88, s6;
	s7 =	simm.s32 @p2 $0x1082  }
0x22: {  	[simem:s7], [sflag:s8] =	dma.local @!p0 [hbm:s6], $0xF7A  }
0x23: {  	s9 =	sor.u32 $0xD0000000, s2;
	s6 =	simm.s32 $0x108;
	_ =	swait.ge @!p0 [sflag:s8], $0x0  }
0x24: {  	s3 =	sadd.s32 $0x88, s3;
	s6 =	simm.s32 @!p1 $0x1082;
	[sflag:s4] =	ssyncset.s32 $0xFFFFF086  }
0x25: {  	[simem:s6], [sflag:s4] =	dma.local [hbm:s3], $0xF7A  }
0x26: {  	[smem:$0x3F9B] =	sst s1;
	(tag) =	ssettag s2;
	_ =	strace s9  }
0x27: {  	s1 =	sld [smem:$0x3FAB]  }
0x28: {  	s2 =	sld [smem:$0x3FAC]  }
0x29: {  	s4 =	sld [smem:$0x3FAE]  }
0x2a: {  	p0 =	seq.s32 s5, $0x0;
	s5 =	sld [smem:$0x3FAF]  }
0x2b: {  	s6 =	sld [smem:$0x3FB0]  }
0x2c: {  	s7 =	sld [smem:$0x3FB1]  }
0x2d: {  	s3 =	simm.s32 $0x108;
	s8 =	sld [smem:$0x3FB2]  }
0x2e: {  	s3 =	simm.s32 @!p0 $0x1082;
	s9 =	sld [smem:$0x3FB3]  }
0x2f: {  	lr =	sadd.s32 s0, s3;
	s0 =	sld [smem:$0x3FAA]  }
0x30: {  	s3 =	sld [smem:$0x3FAD]  }
0x31: {  	[smem:$0x3FB6] =	sst s10  }
0x32: {  	s10 =	sld [smem:$0x3FB4];
	_ =	sdelay $0x3  }
0x33: {  	p0 =	seq.s32 s10, $0x1;
	s10 =	sld [smem:$0x3FB6];
	_ =	sdelay $0x3  }
0x34: {  	[smem:$0x3FB6] =	sst s10  }
0x35: {  	s10 =	sld [smem:$0x3FB5];
	_ =	sdelay $0x3  }
0x36: {  	p1 =	seq.s32 s10, $0x1;
	s10 =	sld [smem:$0x3FB6];
	_ =	sdelay $0x3  }
0x37: {  	[smem:$0x3FB6] =	sst s10  }
0x38: {  	s10 =	sld [smem:$0x3FB7]  }
0x39: {  	_ = 	snop;
	(pc) =	sbr.ind lr, $3  }
0x3a: {  	_ = 	snop  }
0x3b: {  	_ = 	snop  }
0x3c: {  	p2 =	seq.s32 s10, $0x1;
	s10 =	sld [smem:$0x3FB6]  }
0x3d: {  	_ =	shalt  }
0x3e: {  	_ =	shalt  }
0x3f: {  	_ =	shalt  }
0x40: {  	_ =	shalt  }
0x41: {  	_ =	shalt  }
0x42: {  	_ =	shalt  }
0x43: {  	_ =	shalt  }
0x44: {  	_ =	shalt  }
0x45: {  	_ =	shalt  }
0x46: {  	_ =	shalt  }
0x47: {  	_ =	shalt  }
0x48: {  	_ =	shalt  }
0x49: {  	_ =	shalt  }
0x4a: {  	_ =	shalt  }
0x4b: {  	_ =	shalt  }
0x4c: {  	_ =	shalt  }
0x4d: {  	_ =	shalt  }
0x4e: {  	_ =	shalt  }
0x4f: {  	_ =	shalt  }
0x50: {  	_ =	shalt  }
0x51: {  	_ =	shalt  }
0x52: {  	_ =	shalt  }
0x53: {  	_ =	shalt  }
0x54: {  	_ =	shalt  }
0x55: {  	_ =	shalt  }
0x56: {  	_ =	shalt  }
0x57: {  	_ =	shalt  }
0x58: {  	_ =	shalt  }
0x59: {  	_ =	shalt  }
0x5a: {  	_ =	shalt  }
0x5b: {  	_ =	shalt  }
0x5c: {  	_ =	shalt  }
0x5d: {  	_ =	shalt  }
0x5e: {  	_ =	shalt  }
0x5f: {  	_ =	shalt  }
0x60: {  	_ =	shalt  }
0x61: {  	_ =	shalt  }
0x62: {  	_ =	shalt  }
0x63: {  	_ =	shalt  }
0x64: {  	_ =	shalt  }
0x65: {  	_ =	shalt  }
0x66: {  	_ =	shalt  }
0x67: {  	_ =	shalt  }
0x68: {  	_ =	shalt  }
0x69: {  	_ =	shalt  }
0x6a: {  	_ =	shalt  }
0x6b: {  	_ =	shalt  }
0x6c: {  	_ =	shalt  }
0x6d: {  	_ =	shalt  }
0x6e: {  	_ =	shalt  }
0x6f: {  	_ =	shalt  }
0x70: {  	_ =	shalt  }
0x71: {  	_ =	shalt  }
0x72: {  	_ =	shalt  }
0x73: {  	_ =	shalt  }
0x74: {  	_ =	shalt  }
0x75: {  	_ =	shalt  }
0x76: {  	_ =	shalt  }
0x77: {  	_ =	shalt  }
0x78: {  	_ =	shalt  }
0x79: {  	_ =	shalt  }
0x7a: {  	_ =	shalt  }
0x7b: {  	_ =	shalt  }
0x7c: {  	_ =	shalt  }
0x7d: {  	_ =	shalt  }
0x7e: {  	_ =	shalt  }
0x7f: {  	_ =	shalt  }
0x80: {  	_ =	shalt  }
0x81: {  	_ =	shalt  }
0x82: {  	_ =	shalt  }
0x83: {  	_ =	shalt  }
0x84: {  	_ =	shalt  }
0x85: {  	_ =	shalt  }
0x86: {  	_ =	shalt  }
0x87: {  	_ =	shalt  }
.Lfunc_end0:
.L_simem_size_0:
called_computation_lowered:
.L_overlay_start_0:
0x88: {  	s2 =	sld [smem:$0x3FD9]  }
0x89: {  	s3 =	sld [smem:$0x3FFE];
	_ =	sdelay $0x1  }
0x8a: {  	s1 =	srdreg.scid  }
0x8b: {  	s0 =	sand.u32 $0x1, s1  }
0x8c: {  	s16 =	sshll.u32 s0, $0xA;
	s2 =	sadd.s32 s3, s2  }
0x8d: {  	s2 =	sadd.s32 s2, s16  }
0x8e: {  	[smem:$0x3FC2] =	sst s2  }
0x8f: {  	_ = 	snop  }
0x90: {  	(tm) =	ssettm $0x1  }
0x91: {  	s17 =	sld [smem:$0x3FFB];
	_ =	sdelay $0x3  }
0x92: {  	_ =	strace s17  }
0x93: {  	s2 =	sld [smem:$0x3FFC];
	_ =	sdelay $0x3  }
0x94: {  	_ =	strace s2  }
0x95: {  	s2 =	sld [smem:$0x3FFD];
	_ =	sdelay $0x3  }
0x96: {  	_ =	strace s2  }
0x97: {  	_ =	strace $0x8FFFFFFF  }
0x98: {  	s18 =	sld [smem:$0x3FDB];
	_ =	sdelay $0x1  }
0x99: {  	s19 =	simm.s32 $_scs_section_size  }
0x9a: {  	s4 =	simm.s32 $_size__tile_overlayer_lowered;
	s5 =	simm.s32 $_tile_overlayer_lowered  }
0x9b: {  	s22 =	simm.s32 $0x1BFF;
	s21 =	sshll.u32 s5, $0x1;
	s2 =	sadd.s32 s19, s18  }
0x9c: {  	s6 =	simm.s32 $0x0;
	s20 =	sshll.u32 s4, $0x1;
	s4 =	sadd.s32 s21, s2  }
0x9d: {  	[timem:s6], [sflag:s22] =	dma.local [hbm:s4], s20  }
0x9e: {  	_ =	swait.ge [sflag:s22], s20  }
0x9f: {  	s3 =	ssub.s32 $0x0, s20;
	[sflag:s22] =	ssyncset.done $0x0  }
0xa0: {  	[sflag:s22] =	ssyncadd.s32 s3;
	_ =	sdelay $0x1  }
0xa1: {  	s23 =	simm.s32 $0x1B8B  }
0xa2: {  	_ =	swait.ge [sflag:s23], $0x1  }
0xa3: {  	[sflag:s23] =	ssyncset.done $0x0  }
0xa4: {  	s25 =	simm.s32 $0x1B8E;
	s24 =	sld [smem:$0x3FFE];
	[sflag:s23] =	ssyncadd.s32 $0xFFFFFFFF  }
0xa5: {  	s26 =	simm.s32 $execute0_lowered;
	[smem:$0x3FD2] =	sst s25  }
0xa6: {  	s4 =	sshll.u32 s26, $0x1;
	_ =	strace $0x80000046;
	[dreg:$0x1] =	wrdreg $0xFFFFFFFF  }
0xa7: {  	s28 =	simm.s32 $_size_execute0_lowered;
	s2 =	sadd.s32 s2, s4;
	[dreg:$0x0] =	wrdreg $0x0  }
0xa8: {  	s4 =	sshll.u32 s28, $0x1;
	[dreg:$0x2] =	wrdreg s2  }
0xa9: {  	[dreg:$0x3] =	wrdreg s4  }
0xaa: {  	[dreg:$0x4] =	wrdreg $0xC0  }
0xab: {  	_ =	task [dreg:s6], $0x5FFFF  }
0xac: {  	[dreg:$0x1] =	wrdreg $0xFFFFFFFF  }
0xad: {  	[dreg:$0x0] =	wrdreg $0x60  }
0xae: {  	[dreg:$0x2] =	wrdreg s24  }
0xaf: {  	[dreg:$0x3] =	wrdreg $0x9  }
0xb0: {  	_ =	task.clear_ibuf [dreg:s6], $0x4FFFF;
	_ =	strace $0x90000046  }
0xb1: {  	s29 =	simm.s32 $0x9;
	_ =	strace $0x80000048  }
0xb2: {  	_ =	swait.ge [sflag:s29], $0x1  }
0xb3: {  	[sflag:s29] =	ssyncadd.s32 $0xFFFFFFFF  }
0xb4: {  	_ =	strace $0x90000048  }
0xb5: {  	_ =	sfence  }
0xb6: {  	s30 =	sld [smem:$0x0];
	_ =	sdelay $0x2  }
0xb7: {  	s31 =	sshll.u32 s1, $0xD;
	s1 =	sshrl.u32 s1, $0x2  }
0xb8: {  	s3 =	sand.u32 $0x4000, s31;
	s1 =	sadd.s32 s1, s30  }
0xb9: {  	s0 =	sor.u32 s3, s0;
	s1 =	sshll.u32 s1, $0x11  }
0xba: {  	s0 =	sor.u32 s1, s0  }
0xbb: {  	s0 =	sadd.s32 $0x8F2B, s0  }
0xbc: {  	[sflag:s0] =	ssyncadd.remote.s32 $0x1  }
0xbd: {  	_ =	sfence.sel $0xFFFF  }
0xbe: {  	[dreg:$0x0] =	wrdreg $0xFFFFFFFF;
	(pc) =	sbr.abs _section_cstart, $3  }
0xbf: {  	[dreg:$0x1] =	wrdreg $0xFFFFFFFF  }
0xc0: {  	_ =	task.clear_ibuf [dreg:s6], $0x2FFFF;
	_ =	strace $0x9FFFFFFF  }
0xc1: {  	(tm) =	ssettm $0x7FFFFFFF  }
tec
execute0_lowered:
.L_overlay_start_1:
0x0: {  	(tag) =	ssettag $0x1  }
0x1: {  	s1 =	srdreg.scid;
	s0 =	stileid.u32  }
0x2: {  	s12 =	sand.u32 $0x1, s1;
	s29 =	sshll.u32 s0, $0x1  }
0x3: {  	s7 =	rddreg [dreg:$0x0];
	s5 =	sor.u32 s12, s29  }
0x4: {  	s2 =	simm.s32 $0x0;
	s1 =	rddreg [dreg:$0x1];
	s3 =	sshll.u32 s5, $0xB  }
0x5: {  	[smem:$0x7FF] =	sst s2;
	s13 =	sadd.s32 s3, s7  }
0x6: {  	_ =	strace $0x80000047;
	s3 =	simm.s32 $0x2;
	s4 =	sadd.s32 $0x1400, s13  }
0x7: {  	[tilespmem:s2], [sflag:$0x2] =	stream.linear.gather [hbm4b:s4+s2], $0x4000, $0x38;
	[tilespmem:$0x8100] =	vst v63  }
0x8: {  	s5 =	sshll.u32 s5, $0x4;
	_ =	swait.ge [sflag:s3], $0x4000  }
0x9: {  	s14 =	sadd.s32 s5, s7;
	[sflag:s3] =	ssyncset.done $0x0  }
0xa: {  	s6 =	simm.s32 $0x8000;
	s5 =	sadd.s32 $0x1200, s14;
	[sflag:s3] =	ssyncadd.s32 $0xFFFFC000  }
0xb: {  	[tilespmem:s6], [sflag:$0x2] =	stream.linear.gather [hbm4b:s5+s2], $0x80, $0x38;
	[tilespmem:$0x8100] =	vst v63  }
0xc: {  	_ =	swait.ge [sflag:s3], $0x80  }
0xd: {  	[sflag:s3] =	ssyncset.done $0x0  }
0xe: {  	s8 =	simm.s32 $0x4000;
	s7 =	sadd.s32 $0x3F1200, s7;
	[sflag:s3] =	ssyncadd.s32 $0xFFFFFF80  }
0xf: {  	[tilespmem:s8], [sflag:$0x1] =	stream.indirect.gather [hbm4b:s7+s8], $0x1, s2, s8, $0xb8;
	[tilespmem:$0x8100] =	vst v63  }
0x10: {  	s9 =	simm.s32 $0x80;
	s10 =	simm.s32 $0x8080;
	s11 =	simm.s32 $0x1  }
0x11: {  	[tilespmem:s10], [sflag:$0x1] =	stream.indirect.gather [hbm4b:s7+s9], $0x1, s6, s9, $0xb8;
	[tilespmem:$0x8100] =	vst v63  }
0x12: {  	_ =	swait.ge [sflag:s11], $0x4000  }
0x13: {  	[sflag:s11] =	ssyncset.done $0x0  }
0x14: {  	s15 =	ssub.s32 $0x2, s12;
	[sflag:s11] =	ssyncadd.s32 $0xFFFFC000  }
0x15: {  	s30 =	sshrl.u32 s15, $0x1;
	_ =	swait.ge [sflag:s11], $0x80  }
0x16: {  	s15 =	ssub.s32 s15, s30;
	[sflag:s11] =	ssyncset.done $0x0  }
0x17: {  	s12 =	sadd.s32 $0x11600, s13;
	s31 =	smax.u32 s15, $0x1;
	[sflag:s11] =	ssyncadd.s32 $0xFFFFFF80  }
0x18: {  	[hbm4b:s12+s2] =	stream.linear.scatter [tilespmem:s8], [sflag:$0x2], $0x4000, $0x38;
	[tilespmem:$0x8100] =	vst v63  }
0x19: {  	p0 =	sne.s32 s31, $0x1;
	_ =	swait.ge [sflag:s3], $0x4000  }
.Ltmp0:
0x1a: {  	[sflag:s3] =	ssyncset.done $0x0;
	(pc) =	sbr.rel @!p0 .LBB2_2-.Ltmp0, $4  }
0x1b: {  	s13 =	sadd.s32 $0x11400, s14;
	[sflag:s3] =	ssyncadd.s32 $0xFFFFC000  }
0x1c: {  	[hbm4b:s13+s2] =	stream.linear.scatter [tilespmem:s10], [sflag:$0x2], $0x80, $0x38;
	[tilespmem:$0x8100] =	vst v63  }
0x1d: {  	_ =	swait.ge [sflag:s3], $0x80  }
0x1e: {  	s14 =	sadd.s32 $0xFFFFFFFF, s31;
	[sflag:s3] =	ssyncset.done $0x0  }
.LBB2_1:
0x1f: {  	p0 =	sne.s32 s14, $0x1;
	s14 =	sadd.s32 $0xFFFFFFFF, s14;
	[sflag:s3] =	ssyncadd.s32 $0xFFFFFF80  }
0x20: {  	[tilespmem:s2], [sflag:$0x2] =	stream.linear.gather [hbm4b:s4+s2], $0x4000, $0x38;
	[tilespmem:$0x8100] =	vst v63  }
0x21: {  	_ =	swait.ge [sflag:s3], $0x4000  }
0x22: {  	[sflag:s3] =	ssyncset.done $0x0  }
0x23: {  	[sflag:s3] =	ssyncadd.s32 $0xFFFFC000  }
0x24: {  	[tilespmem:s6], [sflag:$0x2] =	stream.linear.gather [hbm4b:s5+s2], $0x80, $0x38;
	[tilespmem:$0x8100] =	vst v63  }
0x25: {  	_ =	swait.ge [sflag:s3], $0x80  }
0x26: {  	[sflag:s3] =	ssyncset.done $0x0  }
0x27: {  	[sflag:s3] =	ssyncadd.s32 $0xFFFFFF80  }
0x28: {  	[tilespmem:s8], [sflag:$0x1] =	stream.indirect.gather [hbm4b:s7+s8], $0x1, s2, s8, $0xb8;
	[tilespmem:$0x8100] =	vst v63  }
0x29: {  	_ = 	snop  }
0x2a: {  	[tilespmem:s10], [sflag:$0x1] =	stream.indirect.gather [hbm4b:s7+s9], $0x1, s6, s9, $0xb8;
	[tilespmem:$0x8100] =	vst v63  }
0x2b: {  	_ =	swait.ge [sflag:s11], $0x4000  }
0x2c: {  	[sflag:s11] =	ssyncset.done $0x0  }
0x2d: {  	[sflag:s11] =	ssyncadd.s32 $0xFFFFC000  }
0x2e: {  	_ =	swait.ge [sflag:s11], $0x80  }
0x2f: {  	[sflag:s11] =	ssyncset.done $0x0  }
0x30: {  	[sflag:s11] =	ssyncadd.s32 $0xFFFFFF80  }
0x31: {  	[hbm4b:s12+s2] =	stream.linear.scatter [tilespmem:s8], [sflag:$0x2], $0x4000, $0x38;
	[tilespmem:$0x8100] =	vst v63  }
0x32: {  	_ =	swait.ge [sflag:s3], $0x4000  }
.Ltmp1:
0x33: {  	[sflag:s3] =	ssyncset.done $0x0;
	(pc) =	sbr.rel @p0 .LBB2_1-.Ltmp1, $4  }
0x34: {  	[sflag:s3] =	ssyncadd.s32 $0xFFFFC000  }
0x35: {  	[hbm4b:s13+s2] =	stream.linear.scatter [tilespmem:s10], [sflag:$0x2], $0x80, $0x38;
	[tilespmem:$0x8100] =	vst v63  }
0x36: {  	_ =	swait.ge [sflag:s3], $0x80  }
0x37: {  	[sflag:s3] =	ssyncset.done $0x0  }
.LBB2_2:
0x38: {  	[sflag:s3] =	ssyncadd.s32 $0xFFFFFF80  }
0x39: {  	_ =	sfence.sel $0x180000  }
0x3a: {  	[bflag:$0x0] =	sbarrier.arrive $0xFFFF  }
0x3b: {  	p0 =	sne.s32 s0, $0x0;
	_ =	strace $0x90000047  }
0x3c: {  	s0 =	sadd.s32 @!p0 $0x100000, s1;
	[bflag:$0x2] =	sbarrier.arrive $0xFFFF  }
0x3d: {  	[sflag:s0] =	ssyncadd.tile.s32 @!p0 $0x1;
	_ =	shalt  }
.Lfunc_end2:
_tile_overlayer_lowered:
.L_overlay_start_2:
0x3e: {  	(tag) =	ssettag $0x2  }
0x3f: {  	s0 =	rddreg [dreg:$0x0];
	s2 =	stileid.u32  }
0x40: {  	s1 =	rddreg [dreg:$0x1];
	p0 =	sne.s32 s2, $0x0  }
0x41: {  	s3 =	rddreg [dreg:$0x2];
	[bflag:$0x3] =	sbarrier.arrive $0xFFFF;
	s2 =	simm.s32 @!p0 $0x1C02  }
0x42: {  	[timem:s3], [sflag:s2] =	dma.local @!p0 [hbm:s0], s1  }
0x43: {  	s0 =	simm.s32 @!p0 $0x2  }
0x44: {  	_ =	swait.ge @!p0 [sflag:s0], s1  }
0x45: {  	s1 =	ssub.s32 @!p0 $0x0, s1;
	[sflag:s0] =	ssyncset.done @!p0 $0x0  }
0x46: {  	[sflag:s0] =	ssyncadd.s32 @!p0 s1  }
0x47: {  	[bflag:$0x3] =	sbarrier.arrive $0xFFFF  }
0x48: {  	_ =	shalt  }

</sc_bundles>
